<compile_context>
chip_gen: v7x
topology: tpu7x:2x2x1
jax: 0.10.2.dev20260603
libtpu: 0.0.44.dev20260713+nightly
codegen_flags: <defaults>
</compile_context>

<pallas_src>
import functools

import jax
import jax.numpy as jnp
from jax import lax
from jax.experimental import pallas as pl
from jax.experimental.pallas import tpu as pltpu
from jax.experimental.pallas import tpu_sc as plsc

_L = 16


def kernel(k_cache, k, step):
    B, H, S, D = k_cache.shape
    Q = k.shape[-2]
    BH = B * H
    start = jnp.clip(jnp.asarray(step, jnp.int32) - Q, 0, S - Q)

    kc = k_cache.reshape(BH * S, D)
    kk = k.reshape(BH * Q, D)
    start_v = jnp.full((_L,), start, jnp.int32)

    info = plsc.get_sparse_core_info()
    nc, ns = info.num_cores, info.num_subcores
    nw = nc * ns
    rows_pw = (BH * Q) // nw
    bh_pw = BH // nw

    mesh = plsc.VectorSubcoreMesh(core_axis_name="c", subcore_axis_name="s")

    @functools.partial(
        pl.kernel,
        mesh=mesh,
        scratch_types=[
            pltpu.VMEM((_L,), jnp.int32),
            pltpu.VMEM((rows_pw,), jnp.int32),
            pltpu.VMEM((rows_pw, D), jnp.float32),
            pltpu.VMEM((rows_pw, D), jnp.float32),
            pltpu.SemaphoreType.DMA,
            pltpu.SemaphoreType.DMA,
            pltpu.SemaphoreType.DMA,
            pltpu.SemaphoreType.DMA,
        ],
    )
    def sc_update(cache_ref, k_ref, s_ref, st_v, idx_v, k_v, slab_v,
                  sem_s, sem_k, sem_g, sem_w):
        wid = lax.axis_index("s") * nc + lax.axis_index("c")
        base_bh = wid * bh_pw
        base_krow = wid * rows_pw
        sin = pltpu.async_copy(s_ref, st_v, sem_s)
        kin = pltpu.async_copy(
            k_ref.at[pl.ds(base_krow, rows_pw)], k_v, sem_k)
        sin.wait()
        stv = st_v[...]
        for b in range(bh_pw):
            for c in range(Q // _L):
                base = (base_bh + b) * S + c * _L
                vec = lax.iota(jnp.int32, _L) + jnp.full((_L,), base, jnp.int32)
                idx_v[pl.ds(b * Q + c * _L, _L)] = vec + stv
        gin = pltpu.async_copy(cache_ref.at[idx_v], slab_v, sem_g)
        kin.wait()
        gin.wait()

        def add_row(i, carry):
            for c in range(D // _L):
                x = k_v[i, pl.ds(c * _L, _L)]
                plsc.addupdate(slab_v.at[i, pl.ds(c * _L, _L)], x)
            return carry

        lax.fori_loop(0, rows_pw, add_row, 0, unroll=4)
        pltpu.async_copy(slab_v, cache_ref.at[idx_v], sem_w).wait()

    cache_box = jax.new_ref(kc)
    sc_update(cache_box, kk, start_v)
    return cache_box[...].reshape(B, H, S, D)

# --- scband reference (transcript-rebuilt; emitter-appended) ---
"""Pipeline reference for scband-kvcache-module-11974368821633 (READ-ONLY COPY).

The authoritative reference and input builder live on the scoring server;
editing this copy changes nothing except your own understanding.
"""

import jax, jax.numpy as jnp
import numpy as np

def setup_inputs(seed: int = 0) -> dict:
    key = jax.random.key(seed)
    k1, k2 = jax.random.split(key)
    k_cache = jax.random.normal(k1, (8, 16, 4096, 128), dtype=jnp.float32)
    k = jax.random.normal(k2, (8, 16, 32, 128), dtype=jnp.float32)
    step = 2048  # python int scalar (0-dim int tensor in torch)
    return {"k_cache": k_cache, "k": k, "step": step}

def reference(k_cache, k, step):
    # torch: k_cache[..., step - k.shape[-2]:step, :].add_(k); return k_cache
    q_len = k.shape[-2]
    start = step - q_len
    slab = jax.lax.dynamic_slice_in_dim(k_cache, start, q_len, axis=2)
    out = jax.lax.dynamic_update_slice_in_dim(k_cache, slab + k, start, axis=2)
    return out

if __name__ == "__main__":
    import jax
    _d = setup_inputs()
    print(jax.jit(kernel)(*tuple(_d.values())))

</pallas_src>

<mosaic_0001>
#map = affine_map<(d0, d1) -> (0, 0)>
#map1 = affine_map<(d0, d1) -> (0)>
module attributes {stable_mosaic.version = 14 : i64} {
  func.func @new_body(%arg0: i32, %arg1: i32, %arg2: memref<524288x128xf32, #tpu.memory_space<hbm>>, %arg3: memref<4096x128xf32, #tpu.memory_space<hbm>>, %arg4: memref<16xi32, #tpu.memory_space<hbm>>, %arg5: memref<524288x128xf32, #tpu.memory_space<hbm>>, %arg6: memref<16xi32, #tpu.memory_space<vmem>>, %arg7: memref<128xi32, #tpu.memory_space<vmem>>, %arg8: memref<128x128xf32, #tpu.memory_space<vmem>>, %arg9: memref<128x128xf32, #tpu.memory_space<vmem>>, %arg10: memref<!tpu.dma_semaphore, #tpu.memory_space<semaphore_mem>>, %arg11: memref<!tpu.dma_semaphore, #tpu.memory_space<semaphore_mem>>, %arg12: memref<!tpu.dma_semaphore, #tpu.memory_space<semaphore_mem>>, %arg13: memref<!tpu.dma_semaphore, #tpu.memory_space<semaphore_mem>>) attributes {dimension_semantics = [#tpu.dimension_semantics<core_parallel>, #tpu.dimension_semantics<subcore_parallel>], iteration_bounds = array<i64: 2, 16>, scalar_prefetch = 0 : i64, scratch_operands = 8 : i64, tpu.core_type = #tpu.core_type<sc_vector_subcore>, window_params = [{transform_indices = #map}, {transform_indices = #map}, {transform_indices = #map1}, {transform_indices = #map}]} {
    %mul3A = arith.constant 2 : i32
    %mul3A_0 = arith.muli %arg1, %mul3A : i32
    %add3A = arith.addi %mul3A_0, %arg0 : i32
    %mul3A_1 = arith.constant 4 : i32
    %mul3A_2 = arith.muli %add3A, %mul3A_1 : i32
    %mul3A_3 = arith.constant 128 : i32
    %mul3A_4 = arith.muli %add3A, %mul3A_3 : i32
    tpu.enqueue_dma source(%arg4 : memref<16xi32, #tpu.memory_space<hbm>>) target(%arg6 : memref<16xi32, #tpu.memory_space<vmem>>) target_semaphore(%arg10 : memref<!tpu.dma_semaphore, #tpu.memory_space<semaphore_mem>>)
    %dma_start3A = arith.constant 0 : i32
    %dma_start3A_5 = tpu.memref_slice %arg3[%mul3A_4, %dma_start3A] : memref<4096x128xf32, #tpu.memory_space<hbm>> -> memref<128x128xf32, #tpu.memory_space<hbm>>
    %dma_start3A_6 = arith.constant 0 : i32
    %dma_start3A_7 = tpu.memref_slice %arg3[%mul3A_4, %dma_start3A_6] : memref<4096x128xf32, #tpu.memory_space<hbm>> -> memref<128x128xf32, #tpu.memory_space<hbm>>
    tpu.enqueue_dma source(%dma_start3A_7 : memref<128x128xf32, #tpu.memory_space<hbm>>) target(%arg8 : memref<128x128xf32, #tpu.memory_space<vmem>>) target_semaphore(%arg11 : memref<!tpu.dma_semaphore, #tpu.memory_space<semaphore_mem>>)
    tpu.wait_dma2 semaphore(%arg10 : memref<!tpu.dma_semaphore, #tpu.memory_space<semaphore_mem>>) src(%arg4 : memref<16xi32, #tpu.memory_space<hbm>>) dst(%arg6 : memref<16xi32, #tpu.memory_space<vmem>>)
    %get3A = arith.constant 0 : index
    %get3A_8 = tpu.vector_load %arg6[%get3A] {strides = array<i32>} : memref<16xi32, #tpu.memory_space<vmem>>, vector<16xi32>,
    %get3A_9 = vector.shape_cast %get3A_8 : vector<16xi32> to vector<16xi32>
    %add3A_10 = arith.constant 0 : i32
    %add3A_11 = arith.addi %mul3A_2, %add3A_10 : i32
    %mul3A_12 = arith.constant 4096 : i32
    %mul3A_13 = arith.muli %add3A_11, %mul3A_12 : i32
    %add3A_14 = arith.constant 0 : i32
    %add3A_15 = arith.addi %mul3A_13, %add3A_14 : i32
    %iota3A = tpu.iota {dimensions = array<i32: 0>} : vector<16xi32>
    %broadcast_in_dim3A = vector.broadcast %add3A_15 : i32 to vector<16xi32>
    %add3A_16 = arith.addi %iota3A, %broadcast_in_dim3A : vector<16xi32>
    %add3A_17 = arith.addi %add3A_16, %get3A_9 : vector<16xi32>
    %swap3A = arith.constant 0 : index
    %swap3A_18 = tpu.vector_load %arg7[%swap3A] {strides = array<i32>} : memref<128xi32, #tpu.memory_space<vmem>>, vector<16xi32>,
    %swap3A_19 = vector.shape_cast %swap3A_18 : vector<16xi32> to vector<16xi32>
    %swap3A_20 = vector.shape_cast %add3A_17 : vector<16xi32> to vector<16xi32>
    tpu.vector_store %arg7[%swap3A], %swap3A_20 {strides = array<i32>} : memref<128xi32, #tpu.memory_space<vmem>>, vector<16xi32>,
    %add3A_21 = arith.constant 0 : i32
    %add3A_22 = arith.addi %mul3A_2, %add3A_21 : i32
    %mul3A_23 = arith.constant 4096 : i32
    %mul3A_24 = arith.muli %add3A_22, %mul3A_23 : i32
    %add3A_25 = arith.constant 16 : i32
    %add3A_26 = arith.addi %mul3A_24, %add3A_25 : i32
    %iota3A_27 = tpu.iota {dimensions = array<i32: 0>} : vector<16xi32>
    %broadcast_in_dim3A_28 = vector.broadcast %add3A_26 : i32 to vector<16xi32>
    %add3A_29 = arith.addi %iota3A_27, %broadcast_in_dim3A_28 : vector<16xi32>
    %add3A_30 = arith.addi %add3A_29, %get3A_9 : vector<16xi32>
    %swap3A_31 = arith.constant 16 : index
    %swap3A_32 = tpu.vector_load %arg7[%swap3A_31] {strides = array<i32>} : memref<128xi32, #tpu.memory_space<vmem>>, vector<16xi32>,
    %swap3A_33 = vector.shape_cast %swap3A_32 : vector<16xi32> to vector<16xi32>
    %swap3A_34 = vector.shape_cast %add3A_30 : vector<16xi32> to vector<16xi32>
    tpu.vector_store %arg7[%swap3A_31], %swap3A_34 {strides = array<i32>} : memref<128xi32, #tpu.memory_space<vmem>>, vector<16xi32>,
    %add3A_35 = arith.constant 1 : i32
    %add3A_36 = arith.addi %mul3A_2, %add3A_35 : i32
    %mul3A_37 = arith.constant 4096 : i32
    %mul3A_38 = arith.muli %add3A_36, %mul3A_37 : i32
    %add3A_39 = arith.constant 0 : i32
    %add3A_40 = arith.addi %mul3A_38, %add3A_39 : i32
    %iota3A_41 = tpu.iota {dimensions = array<i32: 0>} : vector<16xi32>
    %broadcast_in_dim3A_42 = vector.broadcast %add3A_40 : i32 to vector<16xi32>
    %add3A_43 = arith.addi %iota3A_41, %broadcast_in_dim3A_42 : vector<16xi32>
    %add3A_44 = arith.addi %add3A_43, %get3A_9 : vector<16xi32>
    %swap3A_45 = arith.constant 32 : index
    %swap3A_46 = tpu.vector_load %arg7[%swap3A_45] {strides = array<i32>} : memref<128xi32, #tpu.memory_space<vmem>>, vector<16xi32>,
    %swap3A_47 = vector.shape_cast %swap3A_46 : vector<16xi32> to vector<16xi32>
    %swap3A_48 = vector.shape_cast %add3A_44 : vector<16xi32> to vector<16xi32>
    tpu.vector_store %arg7[%swap3A_45], %swap3A_48 {strides = array<i32>} : memref<128xi32, #tpu.memory_space<vmem>>, vector<16xi32>,
    %add3A_49 = arith.constant 1 : i32
    %add3A_50 = arith.addi %mul3A_2, %add3A_49 : i32
    %mul3A_51 = arith.constant 4096 : i32
    %mul3A_52 = arith.muli %add3A_50, %mul3A_51 : i32
    %add3A_53 = arith.constant 16 : i32
    %add3A_54 = arith.addi %mul3A_52, %add3A_53 : i32
    %iota3A_55 = tpu.iota {dimensions = array<i32: 0>} : vector<16xi32>
    %broadcast_in_dim3A_56 = vector.broadcast %add3A_54 : i32 to vector<16xi32>
    %add3A_57 = arith.addi %iota3A_55, %broadcast_in_dim3A_56 : vector<16xi32>
    %add3A_58 = arith.addi %add3A_57, %get3A_9 : vector<16xi32>
    %swap3A_59 = arith.constant 48 : index
    %swap3A_60 = tpu.vector_load %arg7[%swap3A_59] {strides = array<i32>} : memref<128xi32, #tpu.memory_space<vmem>>, vector<16xi32>,
    %swap3A_61 = vector.shape_cast %swap3A_60 : vector<16xi32> to vector<16xi32>
    %swap3A_62 = vector.shape_cast %add3A_58 : vector<16xi32> to vector<16xi32>
    tpu.vector_store %arg7[%swap3A_59], %swap3A_62 {strides = array<i32>} : memref<128xi32, #tpu.memory_space<vmem>>, vector<16xi32>,
    %add3A_63 = arith.constant 2 : i32
    %add3A_64 = arith.addi %mul3A_2, %add3A_63 : i32
    %mul3A_65 = arith.constant 4096 : i32
    %mul3A_66 = arith.muli %add3A_64, %mul3A_65 : i32
    %add3A_67 = arith.constant 0 : i32
    %add3A_68 = arith.addi %mul3A_66, %add3A_67 : i32
    %iota3A_69 = tpu.iota {dimensions = array<i32: 0>} : vector<16xi32>
    %broadcast_in_dim3A_70 = vector.broadcast %add3A_68 : i32 to vector<16xi32>
    %add3A_71 = arith.addi %iota3A_69, %broadcast_in_dim3A_70 : vector<16xi32>
    %add3A_72 = arith.addi %add3A_71, %get3A_9 : vector<16xi32>
    %swap3A_73 = arith.constant 64 : index
    %swap3A_74 = tpu.vector_load %arg7[%swap3A_73] {strides = array<i32>} : memref<128xi32, #tpu.memory_space<vmem>>, vector<16xi32>,
    %swap3A_75 = vector.shape_cast %swap3A_74 : vector<16xi32> to vector<16xi32>
    %swap3A_76 = vector.shape_cast %add3A_72 : vector<16xi32> to vector<16xi32>
    tpu.vector_store %arg7[%swap3A_73], %swap3A_76 {strides = array<i32>} : memref<128xi32, #tpu.memory_space<vmem>>, vector<16xi32>,
    %add3A_77 = arith.constant 2 : i32
    %add3A_78 = arith.addi %mul3A_2, %add3A_77 : i32
    %mul3A_79 = arith.constant 4096 : i32
    %mul3A_80 = arith.muli %add3A_78, %mul3A_79 : i32
    %add3A_81 = arith.constant 16 : i32
    %add3A_82 = arith.addi %mul3A_80, %add3A_81 : i32
    %iota3A_83 = tpu.iota {dimensions = array<i32: 0>} : vector<16xi32>
    %broadcast_in_dim3A_84 = vector.broadcast %add3A_82 : i32 to vector<16xi32>
    %add3A_85 = arith.addi %iota3A_83, %broadcast_in_dim3A_84 : vector<16xi32>
    %add3A_86 = arith.addi %add3A_85, %get3A_9 : vector<16xi32>
    %swap3A_87 = arith.constant 80 : index
    %swap3A_88 = tpu.vector_load %arg7[%swap3A_87] {strides = array<i32>} : memref<128xi32, #tpu.memory_space<vmem>>, vector<16xi32>,
    %swap3A_89 = vector.shape_cast %swap3A_88 : vector<16xi32> to vector<16xi32>
    %swap3A_90 = vector.shape_cast %add3A_86 : vector<16xi32> to vector<16xi32>
    tpu.vector_store %arg7[%swap3A_87], %swap3A_90 {strides = array<i32>} : memref<128xi32, #tpu.memory_space<vmem>>, vector<16xi32>,
    %add3A_91 = arith.constant 3 : i32
    %add3A_92 = arith.addi %mul3A_2, %add3A_91 : i32
    %mul3A_93 = arith.constant 4096 : i32
    %mul3A_94 = arith.muli %add3A_92, %mul3A_93 : i32
    %add3A_95 = arith.constant 0 : i32
    %add3A_96 = arith.addi %mul3A_94, %add3A_95 : i32
    %iota3A_97 = tpu.iota {dimensions = array<i32: 0>} : vector<16xi32>
    %broadcast_in_dim3A_98 = vector.broadcast %add3A_96 : i32 to vector<16xi32>
    %add3A_99 = arith.addi %iota3A_97, %broadcast_in_dim3A_98 : vector<16xi32>
    %add3A_100 = arith.addi %add3A_99, %get3A_9 : vector<16xi32>
    %swap3A_101 = arith.constant 96 : index
    %swap3A_102 = tpu.vector_load %arg7[%swap3A_101] {strides = array<i32>} : memref<128xi32, #tpu.memory_space<vmem>>, vector<16xi32>,
    %swap3A_103 = vector.shape_cast %swap3A_102 : vector<16xi32> to vector<16xi32>
    %swap3A_104 = vector.shape_cast %add3A_100 : vector<16xi32> to vector<16xi32>
    tpu.vector_store %arg7[%swap3A_101], %swap3A_104 {strides = array<i32>} : memref<128xi32, #tpu.memory_space<vmem>>, vector<16xi32>,
    %add3A_105 = arith.constant 3 : i32
    %add3A_106 = arith.addi %mul3A_2, %add3A_105 : i32
    %mul3A_107 = arith.constant 4096 : i32
    %mul3A_108 = arith.muli %add3A_106, %mul3A_107 : i32
    %add3A_109 = arith.constant 16 : i32
    %add3A_110 = arith.addi %mul3A_108, %add3A_109 : i32
    %iota3A_111 = tpu.iota {dimensions = array<i32: 0>} : vector<16xi32>
    %broadcast_in_dim3A_112 = vector.broadcast %add3A_110 : i32 to vector<16xi32>
    %add3A_113 = arith.addi %iota3A_111, %broadcast_in_dim3A_112 : vector<16xi32>
    %add3A_114 = arith.addi %add3A_113, %get3A_9 : vector<16xi32>
    %swap3A_115 = arith.constant 112 : index
    %swap3A_116 = tpu.vector_load %arg7[%swap3A_115] {strides = array<i32>} : memref<128xi32, #tpu.memory_space<vmem>>, vector<16xi32>,
    %swap3A_117 = vector.shape_cast %swap3A_116 : vector<16xi32> to vector<16xi32>
    %swap3A_118 = vector.shape_cast %add3A_114 : vector<16xi32> to vector<16xi32>
    tpu.vector_store %arg7[%swap3A_115], %swap3A_118 {strides = array<i32>} : memref<128xi32, #tpu.memory_space<vmem>>, vector<16xi32>,
    %dma_start3A_119 = arith.constant 0 : i32
    %dma_start3A_120 = arith.constant 0 : i32
    %dma_start3A_121 = tpu.memref_slice %arg2[%dma_start3A_119, %dma_start3A_120] : memref<524288x128xf32, #tpu.memory_space<hbm>> -> memref<524288x128xf32, #tpu.memory_space<hbm>>
    tpu.enqueue_indirect_dma source(%dma_start3A_121 : memref<524288x128xf32, #tpu.memory_space<hbm>>) target(%arg9 : memref<128x128xf32, #tpu.memory_space<vmem>>) offsets(%arg7 : memref<128xi32, #tpu.memory_space<vmem>>) semaphore(%arg12 : memref<!tpu.dma_semaphore, #tpu.memory_space<semaphore_mem>>)
    %dma_wait3A = arith.constant 0 : i32
    %dma_wait3A_122 = tpu.memref_slice %arg3[%mul3A_4, %dma_wait3A] : memref<4096x128xf32, #tpu.memory_space<hbm>> -> memref<128x128xf32, #tpu.memory_space<hbm>>
    %dma_wait3A_123 = arith.constant 0 : i32
    %dma_wait3A_124 = tpu.memref_slice %arg3[%mul3A_4, %dma_wait3A_123] : memref<4096x128xf32, #tpu.memory_space<hbm>> -> memref<128x128xf32, #tpu.memory_space<hbm>>
    tpu.wait_dma2 semaphore(%arg11 : memref<!tpu.dma_semaphore, #tpu.memory_space<semaphore_mem>>) src(%dma_wait3A_124 : memref<128x128xf32, #tpu.memory_space<hbm>>) dst(%arg8 : memref<128x128xf32, #tpu.memory_space<vmem>>)
    %dma_wait3A_125 = arith.constant 0 : i32
    %dma_wait3A_126 = arith.constant 0 : i32
    %dma_wait3A_127 = tpu.memref_slice %arg2[%dma_wait3A_125, %dma_wait3A_126] : memref<524288x128xf32, #tpu.memory_space<hbm>> -> memref<524288x128xf32, #tpu.memory_space<hbm>>
    tpu.wait_indirect_dma semaphore(%arg12 : memref<!tpu.dma_semaphore, #tpu.memory_space<semaphore_mem>>) src(%dma_wait3A_127 : memref<524288x128xf32, #tpu.memory_space<hbm>>) dst(%arg9 : memref<128x128xf32, #tpu.memory_space<vmem>>)
    %scan3A = arith.constant 0 : i32
    %scan3A_128 = arith.constant 0 : i32
    %scan3A_129 = arith.constant 128 : i32
    %scan3A_130 = arith.addi %scan3A_128, %scan3A_129 : i32
    %scan3A_131 = arith.constant 4 : i32
    scf.for %scan3A_139 = %scan3A_128 to %scan3A_130 step %scan3A_131  : i32 {
      %get3A_140 = arith.index_cast %scan3A_139 : i32 to index
      %get3A_141 = arith.constant 0 : index
      %get3A_142 = tpu.vector_load %arg8[%get3A_140, %get3A_141] {strides = array<i32>} : memref<128x128xf32, #tpu.memory_space<vmem>>, vector<1x16xf32>,
      %get3A_143 = vector.shape_cast %get3A_142 : vector<1x16xf32> to vector<16xf32>
      %swap3A_144 = arith.index_cast %scan3A_139 : i32 to index
      %swap3A_145 = arith.constant 0 : index
      %swap3A_146 = tpu.vector_load %arg9[%swap3A_144, %swap3A_145] {strides = array<i32>} : memref<128x128xf32, #tpu.memory_space<vmem>>, vector<1x16xf32>,
      %swap3A_147 = vector.shape_cast %swap3A_146 : vector<1x16xf32> to vector<16xf32>
      %swap3A_148 = vector.shape_cast %get3A_143 : vector<16xf32> to vector<1x16xf32>
      tpu.vector_store %arg9[%swap3A_144, %swap3A_145], %swap3A_148 {add = true, strides = array<i32>} : memref<128x128xf32, #tpu.memory_space<vmem>>, vector<1x16xf32>,
      %get3A_149 = arith.index_cast %scan3A_139 : i32 to index
      %get3A_150 = arith.constant 16 : index
      %get3A_151 = tpu.vector_load %arg8[%get3A_149, %get3A_150] {strides = array<i32>} : memref<128x128xf32, #tpu.memory_space<vmem>>, vector<1x16xf32>,
      %get3A_152 = vector.shape_cast %get3A_151 : vector<1x16xf32> to vector<16xf32>
      %swap3A_153 = arith.index_cast %scan3A_139 : i32 to index
      %swap3A_154 = arith.constant 16 : index
      %swap3A_155 = tpu.vector_load %arg9[%swap3A_153, %swap3A_154] {strides = array<i32>} : memref<128x128xf32, #tpu.memory_space<vmem>>, vector<1x16xf32>,
      %swap3A_156 = vector.shape_cast %swap3A_155 : vector<1x16xf32> to vector<16xf32>
      %swap3A_157 = vector.shape_cast %get3A_152 : vector<16xf32> to vector<1x16xf32>
      tpu.vector_store %arg9[%swap3A_153, %swap3A_154], %swap3A_157 {add = true, strides = array<i32>} : memref<128x128xf32, #tpu.memory_space<vmem>>, vector<1x16xf32>,
      %get3A_158 = arith.index_cast %scan3A_139 : i32 to index
      %get3A_159 = arith.constant 32 : index
      %get3A_160 = tpu.vector_load %arg8[%get3A_158, %get3A_159] {strides = array<i32>} : memref<128x128xf32, #tpu.memory_space<vmem>>, vector<1x16xf32>,
      %get3A_161 = vector.shape_cast %get3A_160 : vector<1x16xf32> to vector<16xf32>
      %swap3A_162 = arith.index_cast %scan3A_139 : i32 to index
      %swap3A_163 = arith.constant 32 : index
      %swap3A_164 = tpu.vector_load %arg9[%swap3A_162, %swap3A_163] {strides = array<i32>} : memref<128x128xf32, #tpu.memory_space<vmem>>, vector<1x16xf32>,
      %swap3A_165 = vector.shape_cast %swap3A_164 : vector<1x16xf32> to vector<16xf32>
      %swap3A_166 = vector.shape_cast %get3A_161 : vector<16xf32> to vector<1x16xf32>
      tpu.vector_store %arg9[%swap3A_162, %swap3A_163], %swap3A_166 {add = true, strides = array<i32>} : memref<128x128xf32, #tpu.memory_space<vmem>>, vector<1x16xf32>,
      %get3A_167 = arith.index_cast %scan3A_139 : i32 to index
      %get3A_168 = arith.constant 48 : index
      %get3A_169 = tpu.vector_load %arg8[%get3A_167, %get3A_168] {strides = array<i32>} : memref<128x128xf32, #tpu.memory_space<vmem>>, vector<1x16xf32>,
      %get3A_170 = vector.shape_cast %get3A_169 : vector<1x16xf32> to vector<16xf32>
      %swap3A_171 = arith.index_cast %scan3A_139 : i32 to index
      %swap3A_172 = arith.constant 48 : index
      %swap3A_173 = tpu.vector_load %arg9[%swap3A_171, %swap3A_172] {strides = array<i32>} : memref<128x128xf32, #tpu.memory_space<vmem>>, vector<1x16xf32>,
      %swap3A_174 = vector.shape_cast %swap3A_173 : vector<1x16xf32> to vector<16xf32>
      %swap3A_175 = vector.shape_cast %get3A_170 : vector<16xf32> to vector<1x16xf32>
      tpu.vector_store %arg9[%swap3A_171, %swap3A_172], %swap3A_175 {add = true, strides = array<i32>} : memref<128x128xf32, #tpu.memory_space<vmem>>, vector<1x16xf32>,
      %get3A_176 = arith.index_cast %scan3A_139 : i32 to index
      %get3A_177 = arith.constant 64 : index
      %get3A_178 = tpu.vector_load %arg8[%get3A_176, %get3A_177] {strides = array<i32>} : memref<128x128xf32, #tpu.memory_space<vmem>>, vector<1x16xf32>,
      %get3A_179 = vector.shape_cast %get3A_178 : vector<1x16xf32> to vector<16xf32>
      %swap3A_180 = arith.index_cast %scan3A_139 : i32 to index
      %swap3A_181 = arith.constant 64 : index
      %swap3A_182 = tpu.vector_load %arg9[%swap3A_180, %swap3A_181] {strides = array<i32>} : memref<128x128xf32, #tpu.memory_space<vmem>>, vector<1x16xf32>,
      %swap3A_183 = vector.shape_cast %swap3A_182 : vector<1x16xf32> to vector<16xf32>
      %swap3A_184 = vector.shape_cast %get3A_179 : vector<16xf32> to vector<1x16xf32>
      tpu.vector_store %arg9[%swap3A_180, %swap3A_181], %swap3A_184 {add = true, strides = array<i32>} : memref<128x128xf32, #tpu.memory_space<vmem>>, vector<1x16xf32>,
      %get3A_185 = arith.index_cast %scan3A_139 : i32 to index
      %get3A_186 = arith.constant 80 : index
      %get3A_187 = tpu.vector_load %arg8[%get3A_185, %get3A_186] {strides = array<i32>} : memref<128x128xf32, #tpu.memory_space<vmem>>, vector<1x16xf32>,
      %get3A_188 = vector.shape_cast %get3A_187 : vector<1x16xf32> to vector<16xf32>
      %swap3A_189 = arith.index_cast %scan3A_139 : i32 to index
      %swap3A_190 = arith.constant 80 : index
      %swap3A_191 = tpu.vector_load %arg9[%swap3A_189, %swap3A_190] {strides = array<i32>} : memref<128x128xf32, #tpu.memory_space<vmem>>, vector<1x16xf32>,
      %swap3A_192 = vector.shape_cast %swap3A_191 : vector<1x16xf32> to vector<16xf32>
      %swap3A_193 = vector.shape_cast %get3A_188 : vector<16xf32> to vector<1x16xf32>
      tpu.vector_store %arg9[%swap3A_189, %swap3A_190], %swap3A_193 {add = true, strides = array<i32>} : memref<128x128xf32, #tpu.memory_space<vmem>>, vector<1x16xf32>,
      %get3A_194 = arith.index_cast %scan3A_139 : i32 to index
      %get3A_195 = arith.constant 96 : index
      %get3A_196 = tpu.vector_load %arg8[%get3A_194, %get3A_195] {strides = array<i32>} : memref<128x128xf32, #tpu.memory_space<vmem>>, vector<1x16xf32>,
      %get3A_197 = vector.shape_cast %get3A_196 : vector<1x16xf32> to vector<16xf32>
      %swap3A_198 = arith.index_cast %scan3A_139 : i32 to index
      %swap3A_199 = arith.constant 96 : index
      %swap3A_200 = tpu.vector_load %arg9[%swap3A_198, %swap3A_199] {strides = array<i32>} : memref<128x128xf32, #tpu.memory_space<vmem>>, vector<1x16xf32>,
      %swap3A_201 = vector.shape_cast %swap3A_200 : vector<1x16xf32> to vector<16xf32>
      %swap3A_202 = vector.shape_cast %get3A_197 : vector<16xf32> to vector<1x16xf32>
      tpu.vector_store %arg9[%swap3A_198, %swap3A_199], %swap3A_202 {add = true, strides = array<i32>} : memref<128x128xf32, #tpu.memory_space<vmem>>, vector<1x16xf32>,
      %get3A_203 = arith.index_cast %scan3A_139 : i32 to index
      %get3A_204 = arith.constant 112 : index
      %get3A_205 = tpu.vector_load %arg8[%get3A_203, %get3A_204] {strides = array<i32>} : memref<128x128xf32, #tpu.memory_space<vmem>>, vector<1x16xf32>,
      %get3A_206 = vector.shape_cast %get3A_205 : vector<1x16xf32> to vector<16xf32>
      %swap3A_207 = arith.index_cast %scan3A_139 : i32 to index
      %swap3A_208 = arith.constant 112 : index
      %swap3A_209 = tpu.vector_load %arg9[%swap3A_207, %swap3A_208] {strides = array<i32>} : memref<128x128xf32, #tpu.memory_space<vmem>>, vector<1x16xf32>,
      %swap3A_210 = vector.shape_cast %swap3A_209 : vector<1x16xf32> to vector<16xf32>
      %swap3A_211 = vector.shape_cast %get3A_206 : vector<16xf32> to vector<1x16xf32>
      tpu.vector_store %arg9[%swap3A_207, %swap3A_208], %swap3A_211 {add = true, strides = array<i32>} : memref<128x128xf32, #tpu.memory_space<vmem>>, vector<1x16xf32>,
      %scan3A_212 = arith.constant 1 : i32
      %scan3A_213 = arith.addi %scan3A_139, %scan3A_212 : i32
      %get3A_214 = arith.index_cast %scan3A_213 : i32 to index
      %get3A_215 = arith.constant 0 : index
      %get3A_216 = tpu.vector_load %arg8[%get3A_214, %get3A_215] {strides = array<i32>} : memref<128x128xf32, #tpu.memory_space<vmem>>, vector<1x16xf32>,
      %get3A_217 = vector.shape_cast %get3A_216 : vector<1x16xf32> to vector<16xf32>
      %swap3A_218 = arith.index_cast %scan3A_213 : i32 to index
      %swap3A_219 = arith.constant 0 : index
      %swap3A_220 = tpu.vector_load %arg9[%swap3A_218, %swap3A_219] {strides = array<i32>} : memref<128x128xf32, #tpu.memory_space<vmem>>, vector<1x16xf32>,
      %swap3A_221 = vector.shape_cast %swap3A_220 : vector<1x16xf32> to vector<16xf32>
      %swap3A_222 = vector.shape_cast %get3A_217 : vector<16xf32> to vector<1x16xf32>
      tpu.vector_store %arg9[%swap3A_218, %swap3A_219], %swap3A_222 {add = true, strides = array<i32>} : memref<128x128xf32, #tpu.memory_space<vmem>>, vector<1x16xf32>,
      %get3A_223 = arith.index_cast %scan3A_213 : i32 to index
      %get3A_224 = arith.constant 16 : index
      %get3A_225 = tpu.vector_load %arg8[%get3A_223, %get3A_224] {strides = array<i32>} : memref<128x128xf32, #tpu.memory_space<vmem>>, vector<1x16xf32>,
      %get3A_226 = vector.shape_cast %get3A_225 : vector<1x16xf32> to vector<16xf32>
      %swap3A_227 = arith.index_cast %scan3A_213 : i32 to index
      %swap3A_228 = arith.constant 16 : index
      %swap3A_229 = tpu.vector_load %arg9[%swap3A_227, %swap3A_228] {strides = array<i32>} : memref<128x128xf32, #tpu.memory_space<vmem>>, vector<1x16xf32>,
      %swap3A_230 = vector.shape_cast %swap3A_229 : vector<1x16xf32> to vector<16xf32>
      %swap3A_231 = vector.shape_cast %get3A_226 : vector<16xf32> to vector<1x16xf32>
      tpu.vector_store %arg9[%swap3A_227, %swap3A_228], %swap3A_231 {add = true, strides = array<i32>} : memref<128x128xf32, #tpu.memory_space<vmem>>, vector<1x16xf32>,
      %get3A_232 = arith.index_cast %scan3A_213 : i32 to index
      %get3A_233 = arith.constant 32 : index
      %get3A_234 = tpu.vector_load %arg8[%get3A_232, %get3A_233] {strides = array<i32>} : memref<128x128xf32, #tpu.memory_space<vmem>>, vector<1x16xf32>,
      %get3A_235 = vector.shape_cast %get3A_234 : vector<1x16xf32> to vector<16xf32>
      %swap3A_236 = arith.index_cast %scan3A_213 : i32 to index
      %swap3A_237 = arith.constant 32 : index
      %swap3A_238 = tpu.vector_load %arg9[%swap3A_236, %swap3A_237] {strides = array<i32>} : memref<128x128xf32, #tpu.memory_space<vmem>>, vector<1x16xf32>,
      %swap3A_239 = vector.shape_cast %swap3A_238 : vector<1x16xf32> to vector<16xf32>
      %swap3A_240 = vector.shape_cast %get3A_235 : vector<16xf32> to vector<1x16xf32>
      tpu.vector_store %arg9[%swap3A_236, %swap3A_237], %swap3A_240 {add = true, strides = array<i32>} : memref<128x128xf32, #tpu.memory_space<vmem>>, vector<1x16xf32>,
      %get3A_241 = arith.index_cast %scan3A_213 : i32 to index
      %get3A_242 = arith.constant 48 : index
      %get3A_243 = tpu.vector_load %arg8[%get3A_241, %get3A_242] {strides = array<i32>} : memref<128x128xf32, #tpu.memory_space<vmem>>, vector<1x16xf32>,
      %get3A_244 = vector.shape_cast %get3A_243 : vector<1x16xf32> to vector<16xf32>
      %swap3A_245 = arith.index_cast %scan3A_213 : i32 to index
      %swap3A_246 = arith.constant 48 : index
      %swap3A_247 = tpu.vector_load %arg9[%swap3A_245, %swap3A_246] {strides = array<i32>} : memref<128x128xf32, #tpu.memory_space<vmem>>, vector<1x16xf32>,
      %swap3A_248 = vector.shape_cast %swap3A_247 : vector<1x16xf32> to vector<16xf32>
      %swap3A_249 = vector.shape_cast %get3A_244 : vector<16xf32> to vector<1x16xf32>
      tpu.vector_store %arg9[%swap3A_245, %swap3A_246], %swap3A_249 {add = true, strides = array<i32>} : memref<128x128xf32, #tpu.memory_space<vmem>>, vector<1x16xf32>,
      %get3A_250 = arith.index_cast %scan3A_213 : i32 to index
      %get3A_251 = arith.constant 64 : index
      %get3A_252 = tpu.vector_load %arg8[%get3A_250, %get3A_251] {strides = array<i32>} : memref<128x128xf32, #tpu.memory_space<vmem>>, vector<1x16xf32>,
      %get3A_253 = vector.shape_cast %get3A_252 : vector<1x16xf32> to vector<16xf32>
      %swap3A_254 = arith.index_cast %scan3A_213 : i32 to index
      %swap3A_255 = arith.constant 64 : index
      %swap3A_256 = tpu.vector_load %arg9[%swap3A_254, %swap3A_255] {strides = array<i32>} : memref<128x128xf32, #tpu.memory_space<vmem>>, vector<1x16xf32>,
      %swap3A_257 = vector.shape_cast %swap3A_256 : vector<1x16xf32> to vector<16xf32>
      %swap3A_258 = vector.shape_cast %get3A_253 : vector<16xf32> to vector<1x16xf32>
      tpu.vector_store %arg9[%swap3A_254, %swap3A_255], %swap3A_258 {add = true, strides = array<i32>} : memref<128x128xf32, #tpu.memory_space<vmem>>, vector<1x16xf32>,
      %get3A_259 = arith.index_cast %scan3A_213 : i32 to index
      %get3A_260 = arith.constant 80 : index
      %get3A_261 = tpu.vector_load %arg8[%get3A_259, %get3A_260] {strides = array<i32>} : memref<128x128xf32, #tpu.memory_space<vmem>>, vector<1x16xf32>,
      %get3A_262 = vector.shape_cast %get3A_261 : vector<1x16xf32> to vector<16xf32>
      %swap3A_263 = arith.index_cast %scan3A_213 : i32 to index
      %swap3A_264 = arith.constant 80 : index
      %swap3A_265 = tpu.vector_load %arg9[%swap3A_263, %swap3A_264] {strides = array<i32>} : memref<128x128xf32, #tpu.memory_space<vmem>>, vector<1x16xf32>,
      %swap3A_266 = vector.shape_cast %swap3A_265 : vector<1x16xf32> to vector<16xf32>
      %swap3A_267 = vector.shape_cast %get3A_262 : vector<16xf32> to vector<1x16xf32>
      tpu.vector_store %arg9[%swap3A_263, %swap3A_264], %swap3A_267 {add = true, strides = array<i32>} : memref<128x128xf32, #tpu.memory_space<vmem>>, vector<1x16xf32>,
      %get3A_268 = arith.index_cast %scan3A_213 : i32 to index
      %get3A_269 = arith.constant 96 : index
      %get3A_270 = tpu.vector_load %arg8[%get3A_268, %get3A_269] {strides = array<i32>} : memref<128x128xf32, #tpu.memory_space<vmem>>, vector<1x16xf32>,
      %get3A_271 = vector.shape_cast %get3A_270 : vector<1x16xf32> to vector<16xf32>
      %swap3A_272 = arith.index_cast %scan3A_213 : i32 to index
      %swap3A_273 = arith.constant 96 : index
      %swap3A_274 = tpu.vector_load %arg9[%swap3A_272, %swap3A_273] {strides = array<i32>} : memref<128x128xf32, #tpu.memory_space<vmem>>, vector<1x16xf32>,
      %swap3A_275 = vector.shape_cast %swap3A_274 : vector<1x16xf32> to vector<16xf32>
      %swap3A_276 = vector.shape_cast %get3A_271 : vector<16xf32> to vector<1x16xf32>
      tpu.vector_store %arg9[%swap3A_272, %swap3A_273], %swap3A_276 {add = true, strides = array<i32>} : memref<128x128xf32, #tpu.memory_space<vmem>>, vector<1x16xf32>,
      %get3A_277 = arith.index_cast %scan3A_213 : i32 to index
      %get3A_278 = arith.constant 112 : index
      %get3A_279 = tpu.vector_load %arg8[%get3A_277, %get3A_278] {strides = array<i32>} : memref<128x128xf32, #tpu.memory_space<vmem>>, vector<1x16xf32>,
      %get3A_280 = vector.shape_cast %get3A_279 : vector<1x16xf32> to vector<16xf32>
      %swap3A_281 = arith.index_cast %scan3A_213 : i32 to index
      %swap3A_282 = arith.constant 112 : index
      %swap3A_283 = tpu.vector_load %arg9[%swap3A_281, %swap3A_282] {strides = array<i32>} : memref<128x128xf32, #tpu.memory_space<vmem>>, vector<1x16xf32>,
      %swap3A_284 = vector.shape_cast %swap3A_283 : vector<1x16xf32> to vector<16xf32>
      %swap3A_285 = vector.shape_cast %get3A_280 : vector<16xf32> to vector<1x16xf32>
      tpu.vector_store %arg9[%swap3A_281, %swap3A_282], %swap3A_285 {add = true, strides = array<i32>} : memref<128x128xf32, #tpu.memory_space<vmem>>, vector<1x16xf32>,
      %scan3A_286 = arith.constant 2 : i32
      %scan3A_287 = arith.addi %scan3A_139, %scan3A_286 : i32
      %get3A_288 = arith.index_cast %scan3A_287 : i32 to index
      %get3A_289 = arith.constant 0 : index
      %get3A_290 = tpu.vector_load %arg8[%get3A_288, %get3A_289] {strides = array<i32>} : memref<128x128xf32, #tpu.memory_space<vmem>>, vector<1x16xf32>,
      %get3A_291 = vector.shape_cast %get3A_290 : vector<1x16xf32> to vector<16xf32>
      %swap3A_292 = arith.index_cast %scan3A_287 : i32 to index
      %swap3A_293 = arith.constant 0 : index
      %swap3A_294 = tpu.vector_load %arg9[%swap3A_292, %swap3A_293] {strides = array<i32>} : memref<128x128xf32, #tpu.memory_space<vmem>>, vector<1x16xf32>,
      %swap3A_295 = vector.shape_cast %swap3A_294 : vector<1x16xf32> to vector<16xf32>
      %swap3A_296 = vector.shape_cast %get3A_291 : vector<16xf32> to vector<1x16xf32>
      tpu.vector_store %arg9[%swap3A_292, %swap3A_293], %swap3A_296 {add = true, strides = array<i32>} : memref<128x128xf32, #tpu.memory_space<vmem>>, vector<1x16xf32>,
      %get3A_297 = arith.index_cast %scan3A_287 : i32 to index
      %get3A_298 = arith.constant 16 : index
      %get3A_299 = tpu.vector_load %arg8[%get3A_297, %get3A_298] {strides = array<i32>} : memref<128x128xf32, #tpu.memory_space<vmem>>, vector<1x16xf32>,
      %get3A_300 = vector.shape_cast %get3A_299 : vector<1x16xf32> to vector<16xf32>
      %swap3A_301 = arith.index_cast %scan3A_287 : i32 to index
      %swap3A_302 = arith.constant 16 : index
      %swap3A_303 = tpu.vector_load %arg9[%swap3A_301, %swap3A_302] {strides = array<i32>} : memref<128x128xf32, #tpu.memory_space<vmem>>, vector<1x16xf32>,
      %swap3A_304 = vector.shape_cast %swap3A_303 : vector<1x16xf32> to vector<16xf32>
      %swap3A_305 = vector.shape_cast %get3A_300 : vector<16xf32> to vector<1x16xf32>
      tpu.vector_store %arg9[%swap3A_301, %swap3A_302], %swap3A_305 {add = true, strides = array<i32>} : memref<128x128xf32, #tpu.memory_space<vmem>>, vector<1x16xf32>,
      %get3A_306 = arith.index_cast %scan3A_287 : i32 to index
      %get3A_307 = arith.constant 32 : index
      %get3A_308 = tpu.vector_load %arg8[%get3A_306, %get3A_307] {strides = array<i32>} : memref<128x128xf32, #tpu.memory_space<vmem>>, vector<1x16xf32>,
      %get3A_309 = vector.shape_cast %get3A_308 : vector<1x16xf32> to vector<16xf32>
      %swap3A_310 = arith.index_cast %scan3A_287 : i32 to index
      %swap3A_311 = arith.constant 32 : index
      %swap3A_312 = tpu.vector_load %arg9[%swap3A_310, %swap3A_311] {strides = array<i32>} : memref<128x128xf32, #tpu.memory_space<vmem>>, vector<1x16xf32>,
      %swap3A_313 = vector.shape_cast %swap3A_312 : vector<1x16xf32> to vector<16xf32>
      %swap3A_314 = vector.shape_cast %get3A_309 : vector<16xf32> to vector<1x16xf32>
      tpu.vector_store %arg9[%swap3A_310, %swap3A_311], %swap3A_314 {add = true, strides = array<i32>} : memref<128x128xf32, #tpu.memory_space<vmem>>, vector<1x16xf32>,
      %get3A_315 = arith.index_cast %scan3A_287 : i32 to index
      %get3A_316 = arith.constant 48 : index
      %get3A_317 = tpu.vector_load %arg8[%get3A_315, %get3A_316] {strides = array<i32>} : memref<128x128xf32, #tpu.memory_space<vmem>>, vector<1x16xf32>,
      %get3A_318 = vector.shape_cast %get3A_317 : vector<1x16xf32> to vector<16xf32>
      %swap3A_319 = arith.index_cast %scan3A_287 : i32 to index
      %swap3A_320 = arith.constant 48 : index
      %swap3A_321 = tpu.vector_load %arg9[%swap3A_319, %swap3A_320] {strides = array<i32>} : memref<128x128xf32, #tpu.memory_space<vmem>>, vector<1x16xf32>,
      %swap3A_322 = vector.shape_cast %swap3A_321 : vector<1x16xf32> to vector<16xf32>
      %swap3A_323 = vector.shape_cast %get3A_318 : vector<16xf32> to vector<1x16xf32>
      tpu.vector_store %arg9[%swap3A_319, %swap3A_320], %swap3A_323 {add = true, strides = array<i32>} : memref<128x128xf32, #tpu.memory_space<vmem>>, vector<1x16xf32>,
      %get3A_324 = arith.index_cast %scan3A_287 : i32 to index
      %get3A_325 = arith.constant 64 : index
      %get3A_326 = tpu.vector_load %arg8[%get3A_324, %get3A_325] {strides = array<i32>} : memref<128x128xf32, #tpu.memory_space<vmem>>, vector<1x16xf32>,
      %get3A_327 = vector.shape_cast %get3A_326 : vector<1x16xf32> to vector<16xf32>
      %swap3A_328 = arith.index_cast %scan3A_287 : i32 to index
      %swap3A_329 = arith.constant 64 : index
      %swap3A_330 = tpu.vector_load %arg9[%swap3A_328, %swap3A_329] {strides = array<i32>} : memref<128x128xf32, #tpu.memory_space<vmem>>, vector<1x16xf32>,
      %swap3A_331 = vector.shape_cast %swap3A_330 : vector<1x16xf32> to vector<16xf32>
      %swap3A_332 = vector.shape_cast %get3A_327 : vector<16xf32> to vector<1x16xf32>
      tpu.vector_store %arg9[%swap3A_328, %swap3A_329], %swap3A_332 {add = true, strides = array<i32>} : memref<128x128xf32, #tpu.memory_space<vmem>>, vector<1x16xf32>,
      %get3A_333 = arith.index_cast %scan3A_287 : i32 to index
      %get3A_334 = arith.constant 80 : index
      %get3A_335 = tpu.vector_load %arg8[%get3A_333, %get3A_334] {strides = array<i32>} : memref<128x128xf32, #tpu.memory_space<vmem>>, vector<1x16xf32>,
      %get3A_336 = vector.shape_cast %get3A_335 : vector<1x16xf32> to vector<16xf32>
      %swap3A_337 = arith.index_cast %scan3A_287 : i32 to index
      %swap3A_338 = arith.constant 80 : index
      %swap3A_339 = tpu.vector_load %arg9[%swap3A_337, %swap3A_338] {strides = array<i32>} : memref<128x128xf32, #tpu.memory_space<vmem>>, vector<1x16xf32>,
      %swap3A_340 = vector.shape_cast %swap3A_339 : vector<1x16xf32> to vector<16xf32>
      %swap3A_341 = vector.shape_cast %get3A_336 : vector<16xf32> to vector<1x16xf32>
      tpu.vector_store %arg9[%swap3A_337, %swap3A_338], %swap3A_341 {add = true, strides = array<i32>} : memref<128x128xf32, #tpu.memory_space<vmem>>, vector<1x16xf32>,
      %get3A_342 = arith.index_cast %scan3A_287 : i32 to index
      %get3A_343 = arith.constant 96 : index
      %get3A_344 = tpu.vector_load %arg8[%get3A_342, %get3A_343] {strides = array<i32>} : memref<128x128xf32, #tpu.memory_space<vmem>>, vector<1x16xf32>,
      %get3A_345 = vector.shape_cast %get3A_344 : vector<1x16xf32> to vector<16xf32>
      %swap3A_346 = arith.index_cast %scan3A_287 : i32 to index
      %swap3A_347 = arith.constant 96 : index
      %swap3A_348 = tpu.vector_load %arg9[%swap3A_346, %swap3A_347] {strides = array<i32>} : memref<128x128xf32, #tpu.memory_space<vmem>>, vector<1x16xf32>,
      %swap3A_349 = vector.shape_cast %swap3A_348 : vector<1x16xf32> to vector<16xf32>
      %swap3A_350 = vector.shape_cast %get3A_345 : vector<16xf32> to vector<1x16xf32>
      tpu.vector_store %arg9[%swap3A_346, %swap3A_347], %swap3A_350 {add = true, strides = array<i32>} : memref<128x128xf32, #tpu.memory_space<vmem>>, vector<1x16xf32>,
      %get3A_351 = arith.index_cast %scan3A_287 : i32 to index
      %get3A_352 = arith.constant 112 : index
      %get3A_353 = tpu.vector_load %arg8[%get3A_351, %get3A_352] {strides = array<i32>} : memref<128x128xf32, #tpu.memory_space<vmem>>, vector<1x16xf32>,
      %get3A_354 = vector.shape_cast %get3A_353 : vector<1x16xf32> to vector<16xf32>
      %swap3A_355 = arith.index_cast %scan3A_287 : i32 to index
      %swap3A_356 = arith.constant 112 : index
      %swap3A_357 = tpu.vector_load %arg9[%swap3A_355, %swap3A_356] {strides = array<i32>} : memref<128x128xf32, #tpu.memory_space<vmem>>, vector<1x16xf32>,
      %swap3A_358 = vector.shape_cast %swap3A_357 : vector<1x16xf32> to vector<16xf32>
      %swap3A_359 = vector.shape_cast %get3A_354 : vector<16xf32> to vector<1x16xf32>
      tpu.vector_store %arg9[%swap3A_355, %swap3A_356], %swap3A_359 {add = true, strides = array<i32>} : memref<128x128xf32, #tpu.memory_space<vmem>>, vector<1x16xf32>,
      %scan3A_360 = arith.constant 3 : i32
      %scan3A_361 = arith.addi %scan3A_139, %scan3A_360 : i32
      %get3A_362 = arith.index_cast %scan3A_361 : i32 to index
      %get3A_363 = arith.constant 0 : index
      %get3A_364 = tpu.vector_load %arg8[%get3A_362, %get3A_363] {strides = array<i32>} : memref<128x128xf32, #tpu.memory_space<vmem>>, vector<1x16xf32>,
      %get3A_365 = vector.shape_cast %get3A_364 : vector<1x16xf32> to vector<16xf32>
      %swap3A_366 = arith.index_cast %scan3A_361 : i32 to index
      %swap3A_367 = arith.constant 0 : index
      %swap3A_368 = tpu.vector_load %arg9[%swap3A_366, %swap3A_367] {strides = array<i32>} : memref<128x128xf32, #tpu.memory_space<vmem>>, vector<1x16xf32>,
      %swap3A_369 = vector.shape_cast %swap3A_368 : vector<1x16xf32> to vector<16xf32>
      %swap3A_370 = vector.shape_cast %get3A_365 : vector<16xf32> to vector<1x16xf32>
      tpu.vector_store %arg9[%swap3A_366, %swap3A_367], %swap3A_370 {add = true, strides = array<i32>} : memref<128x128xf32, #tpu.memory_space<vmem>>, vector<1x16xf32>,
      %get3A_371 = arith.index_cast %scan3A_361 : i32 to index
      %get3A_372 = arith.constant 16 : index
      %get3A_373 = tpu.vector_load %arg8[%get3A_371, %get3A_372] {strides = array<i32>} : memref<128x128xf32, #tpu.memory_space<vmem>>, vector<1x16xf32>,
      %get3A_374 = vector.shape_cast %get3A_373 : vector<1x16xf32> to vector<16xf32>
      %swap3A_375 = arith.index_cast %scan3A_361 : i32 to index
      %swap3A_376 = arith.constant 16 : index
      %swap3A_377 = tpu.vector_load %arg9[%swap3A_375, %swap3A_376] {strides = array<i32>} : memref<128x128xf32, #tpu.memory_space<vmem>>, vector<1x16xf32>,
      %swap3A_378 = vector.shape_cast %swap3A_377 : vector<1x16xf32> to vector<16xf32>
      %swap3A_379 = vector.shape_cast %get3A_374 : vector<16xf32> to vector<1x16xf32>
      tpu.vector_store %arg9[%swap3A_375, %swap3A_376], %swap3A_379 {add = true, strides = array<i32>} : memref<128x128xf32, #tpu.memory_space<vmem>>, vector<1x16xf32>,
      %get3A_380 = arith.index_cast %scan3A_361 : i32 to index
      %get3A_381 = arith.constant 32 : index
      %get3A_382 = tpu.vector_load %arg8[%get3A_380, %get3A_381] {strides = array<i32>} : memref<128x128xf32, #tpu.memory_space<vmem>>, vector<1x16xf32>,
      %get3A_383 = vector.shape_cast %get3A_382 : vector<1x16xf32> to vector<16xf32>
      %swap3A_384 = arith.index_cast %scan3A_361 : i32 to index
      %swap3A_385 = arith.constant 32 : index
      %swap3A_386 = tpu.vector_load %arg9[%swap3A_384, %swap3A_385] {strides = array<i32>} : memref<128x128xf32, #tpu.memory_space<vmem>>, vector<1x16xf32>,
      %swap3A_387 = vector.shape_cast %swap3A_386 : vector<1x16xf32> to vector<16xf32>
      %swap3A_388 = vector.shape_cast %get3A_383 : vector<16xf32> to vector<1x16xf32>
      tpu.vector_store %arg9[%swap3A_384, %swap3A_385], %swap3A_388 {add = true, strides = array<i32>} : memref<128x128xf32, #tpu.memory_space<vmem>>, vector<1x16xf32>,
      %get3A_389 = arith.index_cast %scan3A_361 : i32 to index
      %get3A_390 = arith.constant 48 : index
      %get3A_391 = tpu.vector_load %arg8[%get3A_389, %get3A_390] {strides = array<i32>} : memref<128x128xf32, #tpu.memory_space<vmem>>, vector<1x16xf32>,
      %get3A_392 = vector.shape_cast %get3A_391 : vector<1x16xf32> to vector<16xf32>
      %swap3A_393 = arith.index_cast %scan3A_361 : i32 to index
      %swap3A_394 = arith.constant 48 : index
      %swap3A_395 = tpu.vector_load %arg9[%swap3A_393, %swap3A_394] {strides = array<i32>} : memref<128x128xf32, #tpu.memory_space<vmem>>, vector<1x16xf32>,
      %swap3A_396 = vector.shape_cast %swap3A_395 : vector<1x16xf32> to vector<16xf32>
      %swap3A_397 = vector.shape_cast %get3A_392 : vector<16xf32> to vector<1x16xf32>
      tpu.vector_store %arg9[%swap3A_393, %swap3A_394], %swap3A_397 {add = true, strides = array<i32>} : memref<128x128xf32, #tpu.memory_space<vmem>>, vector<1x16xf32>,
      %get3A_398 = arith.index_cast %scan3A_361 : i32 to index
      %get3A_399 = arith.constant 64 : index
      %get3A_400 = tpu.vector_load %arg8[%get3A_398, %get3A_399] {strides = array<i32>} : memref<128x128xf32, #tpu.memory_space<vmem>>, vector<1x16xf32>,
      %get3A_401 = vector.shape_cast %get3A_400 : vector<1x16xf32> to vector<16xf32>
      %swap3A_402 = arith.index_cast %scan3A_361 : i32 to index
      %swap3A_403 = arith.constant 64 : index
      %swap3A_404 = tpu.vector_load %arg9[%swap3A_402, %swap3A_403] {strides = array<i32>} : memref<128x128xf32, #tpu.memory_space<vmem>>, vector<1x16xf32>,
      %swap3A_405 = vector.shape_cast %swap3A_404 : vector<1x16xf32> to vector<16xf32>
      %swap3A_406 = vector.shape_cast %get3A_401 : vector<16xf32> to vector<1x16xf32>
      tpu.vector_store %arg9[%swap3A_402, %swap3A_403], %swap3A_406 {add = true, strides = array<i32>} : memref<128x128xf32, #tpu.memory_space<vmem>>, vector<1x16xf32>,
      %get3A_407 = arith.index_cast %scan3A_361 : i32 to index
      %get3A_408 = arith.constant 80 : index
      %get3A_409 = tpu.vector_load %arg8[%get3A_407, %get3A_408] {strides = array<i32>} : memref<128x128xf32, #tpu.memory_space<vmem>>, vector<1x16xf32>,
      %get3A_410 = vector.shape_cast %get3A_409 : vector<1x16xf32> to vector<16xf32>
      %swap3A_411 = arith.index_cast %scan3A_361 : i32 to index
      %swap3A_412 = arith.constant 80 : index
      %swap3A_413 = tpu.vector_load %arg9[%swap3A_411, %swap3A_412] {strides = array<i32>} : memref<128x128xf32, #tpu.memory_space<vmem>>, vector<1x16xf32>,
      %swap3A_414 = vector.shape_cast %swap3A_413 : vector<1x16xf32> to vector<16xf32>
      %swap3A_415 = vector.shape_cast %get3A_410 : vector<16xf32> to vector<1x16xf32>
      tpu.vector_store %arg9[%swap3A_411, %swap3A_412], %swap3A_415 {add = true, strides = array<i32>} : memref<128x128xf32, #tpu.memory_space<vmem>>, vector<1x16xf32>,
      %get3A_416 = arith.index_cast %scan3A_361 : i32 to index
      %get3A_417 = arith.constant 96 : index
      %get3A_418 = tpu.vector_load %arg8[%get3A_416, %get3A_417] {strides = array<i32>} : memref<128x128xf32, #tpu.memory_space<vmem>>, vector<1x16xf32>,
      %get3A_419 = vector.shape_cast %get3A_418 : vector<1x16xf32> to vector<16xf32>
      %swap3A_420 = arith.index_cast %scan3A_361 : i32 to index
      %swap3A_421 = arith.constant 96 : index
      %swap3A_422 = tpu.vector_load %arg9[%swap3A_420, %swap3A_421] {strides = array<i32>} : memref<128x128xf32, #tpu.memory_space<vmem>>, vector<1x16xf32>,
      %swap3A_423 = vector.shape_cast %swap3A_422 : vector<1x16xf32> to vector<16xf32>
      %swap3A_424 = vector.shape_cast %get3A_419 : vector<16xf32> to vector<1x16xf32>
      tpu.vector_store %arg9[%swap3A_420, %swap3A_421], %swap3A_424 {add = true, strides = array<i32>} : memref<128x128xf32, #tpu.memory_space<vmem>>, vector<1x16xf32>,
      %get3A_425 = arith.index_cast %scan3A_361 : i32 to index
      %get3A_426 = arith.constant 112 : index
      %get3A_427 = tpu.vector_load %arg8[%get3A_425, %get3A_426] {strides = array<i32>} : memref<128x128xf32, #tpu.memory_space<vmem>>, vector<1x16xf32>,
      %get3A_428 = vector.shape_cast %get3A_427 : vector<1x16xf32> to vector<16xf32>
      %swap3A_429 = arith.index_cast %scan3A_361 : i32 to index
      %swap3A_430 = arith.constant 112 : index
      %swap3A_431 = tpu.vector_load %arg9[%swap3A_429, %swap3A_430] {strides = array<i32>} : memref<128x128xf32, #tpu.memory_space<vmem>>, vector<1x16xf32>,
      %swap3A_432 = vector.shape_cast %swap3A_431 : vector<1x16xf32> to vector<16xf32>
      %swap3A_433 = vector.shape_cast %get3A_428 : vector<16xf32> to vector<1x16xf32>
      tpu.vector_store %arg9[%swap3A_429, %swap3A_430], %swap3A_433 {add = true, strides = array<i32>} : memref<128x128xf32, #tpu.memory_space<vmem>>, vector<1x16xf32>,
    }
    %scan3A_132 = arith.constant 128 : i32
    %dma_start3A_133 = arith.constant 0 : i32
    %dma_start3A_134 = arith.constant 0 : i32
    %dma_start3A_135 = tpu.memref_slice %arg2[%dma_start3A_133, %dma_start3A_134] : memref<524288x128xf32, #tpu.memory_space<hbm>> -> memref<524288x128xf32, #tpu.memory_space<hbm>>
    tpu.enqueue_indirect_dma source(%arg9 : memref<128x128xf32, #tpu.memory_space<vmem>>) target(%dma_start3A_135 : memref<524288x128xf32, #tpu.memory_space<hbm>>) offsets(%arg7 : memref<128xi32, #tpu.memory_space<vmem>>) semaphore(%arg13 : memref<!tpu.dma_semaphore, #tpu.memory_space<semaphore_mem>>)
    %dma_wait3A_136 = arith.constant 0 : i32
    %dma_wait3A_137 = arith.constant 0 : i32
    %dma_wait3A_138 = tpu.memref_slice %arg2[%dma_wait3A_136, %dma_wait3A_137] : memref<524288x128xf32, #tpu.memory_space<hbm>> -> memref<524288x128xf32, #tpu.memory_space<hbm>>
    tpu.wait_indirect_dma semaphore(%arg13 : memref<!tpu.dma_semaphore, #tpu.memory_space<semaphore_mem>>) src(%arg9 : memref<128x128xf32, #tpu.memory_space<vmem>>) dst(%dma_wait3A_138 : memref<524288x128xf32, #tpu.memory_space<hbm>>)
    return
  }
}

</mosaic_0001>

<sc_bundles>
// kernel: kernel.3.cloned.1.call-start
scs
__scs_entry_jumppad:
0x0: {  	(pc) =	sbr.rel $0x88, $3  }
0x1: {  	(tag) =	ssettag $0x0;
	lr =	simm.s32 $0x1  }
0x2: {  	[smem:$0x3F9E] =	sst lr;
	_ =	strace $0xD0000000  }
0x3: {  	_ = 	snop  }
0x4: {  	_ = 	snop  }
0x5: {  	_ = 	snop  }
0x6: {  	_ = 	snop  }
0x7: {  	_ = 	snop  }
__scs_overlays_trampoline_lowered:
0x8: {  	[smem:$0x3FAD] =	sst s0  }
0x9: {  	[smem:$0x3FAE] =	sst s1  }
0xa: {  	[smem:$0x3FAF] =	sst s2  }
0xb: {  	[smem:$0x3FB0] =	sst s3  }
0xc: {  	[smem:$0x3FB1] =	sst s4  }
0xd: {  	[smem:$0x3FB2] =	sst s5  }
0xe: {  	[smem:$0x3FB3] =	sst s6  }
0xf: {  	[smem:$0x3FB4] =	sst s7  }
0x10: {  	[smem:$0x3FB5] =	sst s8  }
0x11: {  	[smem:$0x3FB6] =	sst s9;
	s0 =	simm.s32 @!p0 $0x0  }
0x12: {  	s1 =	sld [smem:$0x3F9C];
	s0 =	simm.s32 @p0 $0x1  }
0x13: {  	[smem:$0x3FB7] =	sst s0;
	s0 =	simm.s32 @!p1 $0x0  }
0x14: {  	s2 =	sld [smem:$0x3F9B];
	s0 =	simm.s32 @p1 $0x1  }
0x15: {  	[smem:$0x3FB8] =	sst s0;
	s0 =	simm.s32 @!p2 $0x0  }
0x16: {  	s3 =	sld [smem:$0x3FDB];
	s0 =	simm.s32 @p2 $0x1  }
0x17: {  	s4 =	simm.s32 $0x1BF5;
	[smem:$0x3FBA] =	sst s0  }
0x18: {  	s0 =	sld [smem:$0x3F9D];
	_ =	swait.ge [sflag:s4], $0x0  }
0x19: {  	s7 =	sld [smem:$0x3F9E]  }
0x1a: {  	s8 =	sadd.s32 $0xFFFFE003, lr  }
0x1b: {  	s9 =	sadd.s32 $0xFFFFFEF7, lr;
	s5 =	simm.s32 $0xFFFFFFFF;
	p2 =	slt.u32 s8, $0xFFFFF086  }
0x1c: {  	p1 =	slt.u32 s9, $0xF7A;
	s5 =	simm.s32 @!p2 $0x0  }
0x1d: {  	s5 =	simm.s32 @p1 $0x1;
	p0 =	seq.s32 s7, s2  }
0x1e: {  	s7 =	smul.u32 @!p0 $0xF7A, s2;
	p2 =	seq.s32 @!p0 s5, $0x0  }
0x1f: {  	s9 =	smul.u32 $0xF7A, s1;
	s8 =	simm.s32 @!p0 $0x1BF5;
	p2 =	por !p2, p0  }
0x20: {  	[sflag:s8] =	ssyncset.s32 @!p0 $0xFFFFF086;
	s6 =	sadd.s32 @!p0 s3, s7;
	s7 =	simm.s32 @!p0 $0x108  }
0x21: {  	s3 =	sadd.s32 s3, s9;
	s6 =	sadd.s32 @!p0 $0x88, s6;
	s7 =	simm.s32 @p2 $0x1082  }
0x22: {  	[simem:s7], [sflag:s8] =	dma.local @!p0 [hbm:s6], $0xF7A  }
0x23: {  	s9 =	sor.u32 $0xD0000000, s2;
	s6 =	simm.s32 $0x108;
	_ =	swait.ge @!p0 [sflag:s8], $0x0  }
0x24: {  	s3 =	sadd.s32 $0x88, s3;
	s6 =	simm.s32 @!p1 $0x1082;
	[sflag:s4] =	ssyncset.s32 $0xFFFFF086  }
0x25: {  	[simem:s6], [sflag:s4] =	dma.local [hbm:s3], $0xF7A  }
0x26: {  	[smem:$0x3F9E] =	sst s1;
	(tag) =	ssettag s2;
	_ =	strace s9  }
0x27: {  	s1 =	sld [smem:$0x3FAE]  }
0x28: {  	s2 =	sld [smem:$0x3FAF]  }
0x29: {  	s4 =	sld [smem:$0x3FB1]  }
0x2a: {  	p0 =	seq.s32 s5, $0x0;
	s5 =	sld [smem:$0x3FB2]  }
0x2b: {  	s6 =	sld [smem:$0x3FB3]  }
0x2c: {  	s7 =	sld [smem:$0x3FB4]  }
0x2d: {  	s3 =	simm.s32 $0x108;
	s8 =	sld [smem:$0x3FB5]  }
0x2e: {  	s3 =	simm.s32 @!p0 $0x1082;
	s9 =	sld [smem:$0x3FB6]  }
0x2f: {  	lr =	sadd.s32 s0, s3;
	s0 =	sld [smem:$0x3FAD]  }
0x30: {  	s3 =	sld [smem:$0x3FB0]  }
0x31: {  	[smem:$0x3FB9] =	sst s10  }
0x32: {  	s10 =	sld [smem:$0x3FB7];
	_ =	sdelay $0x3  }
0x33: {  	p0 =	seq.s32 s10, $0x1;
	s10 =	sld [smem:$0x3FB9];
	_ =	sdelay $0x3  }
0x34: {  	[smem:$0x3FB9] =	sst s10  }
0x35: {  	s10 =	sld [smem:$0x3FB8];
	_ =	sdelay $0x3  }
0x36: {  	p1 =	seq.s32 s10, $0x1;
	s10 =	sld [smem:$0x3FB9];
	_ =	sdelay $0x3  }
0x37: {  	[smem:$0x3FB9] =	sst s10  }
0x38: {  	s10 =	sld [smem:$0x3FBA]  }
0x39: {  	_ = 	snop;
	(pc) =	sbr.ind lr, $3  }
0x3a: {  	_ = 	snop  }
0x3b: {  	_ = 	snop  }
0x3c: {  	p2 =	seq.s32 s10, $0x1;
	s10 =	sld [smem:$0x3FB9]  }
0x3d: {  	_ =	shalt  }
0x3e: {  	_ =	shalt  }
0x3f: {  	_ =	shalt  }
0x40: {  	_ =	shalt  }
0x41: {  	_ =	shalt  }
0x42: {  	_ =	shalt  }
0x43: {  	_ =	shalt  }
0x44: {  	_ =	shalt  }
0x45: {  	_ =	shalt  }
0x46: {  	_ =	shalt  }
0x47: {  	_ =	shalt  }
0x48: {  	_ =	shalt  }
0x49: {  	_ =	shalt  }
0x4a: {  	_ =	shalt  }
0x4b: {  	_ =	shalt  }
0x4c: {  	_ =	shalt  }
0x4d: {  	_ =	shalt  }
0x4e: {  	_ =	shalt  }
0x4f: {  	_ =	shalt  }
0x50: {  	_ =	shalt  }
0x51: {  	_ =	shalt  }
0x52: {  	_ =	shalt  }
0x53: {  	_ =	shalt  }
0x54: {  	_ =	shalt  }
0x55: {  	_ =	shalt  }
0x56: {  	_ =	shalt  }
0x57: {  	_ =	shalt  }
0x58: {  	_ =	shalt  }
0x59: {  	_ =	shalt  }
0x5a: {  	_ =	shalt  }
0x5b: {  	_ =	shalt  }
0x5c: {  	_ =	shalt  }
0x5d: {  	_ =	shalt  }
0x5e: {  	_ =	shalt  }
0x5f: {  	_ =	shalt  }
0x60: {  	_ =	shalt  }
0x61: {  	_ =	shalt  }
0x62: {  	_ =	shalt  }
0x63: {  	_ =	shalt  }
0x64: {  	_ =	shalt  }
0x65: {  	_ =	shalt  }
0x66: {  	_ =	shalt  }
0x67: {  	_ =	shalt  }
0x68: {  	_ =	shalt  }
0x69: {  	_ =	shalt  }
0x6a: {  	_ =	shalt  }
0x6b: {  	_ =	shalt  }
0x6c: {  	_ =	shalt  }
0x6d: {  	_ =	shalt  }
0x6e: {  	_ =	shalt  }
0x6f: {  	_ =	shalt  }
0x70: {  	_ =	shalt  }
0x71: {  	_ =	shalt  }
0x72: {  	_ =	shalt  }
0x73: {  	_ =	shalt  }
0x74: {  	_ =	shalt  }
0x75: {  	_ =	shalt  }
0x76: {  	_ =	shalt  }
0x77: {  	_ =	shalt  }
0x78: {  	_ =	shalt  }
0x79: {  	_ =	shalt  }
0x7a: {  	_ =	shalt  }
0x7b: {  	_ =	shalt  }
0x7c: {  	_ =	shalt  }
0x7d: {  	_ =	shalt  }
0x7e: {  	_ =	shalt  }
0x7f: {  	_ =	shalt  }
0x80: {  	_ =	shalt  }
0x81: {  	_ =	shalt  }
0x82: {  	_ =	shalt  }
0x83: {  	_ =	shalt  }
0x84: {  	_ =	shalt  }
0x85: {  	_ =	shalt  }
0x86: {  	_ =	shalt  }
0x87: {  	_ =	shalt  }
.Lfunc_end0:
.L_simem_size_0:
called_computation_lowered:
.L_overlay_start_0:
0x88: {  	s2 =	sld [smem:$0x3FD9]  }
0x89: {  	s3 =	sld [smem:$0x3FFE];
	_ =	sdelay $0x1  }
0x8a: {  	s1 =	srdreg.scid  }
0x8b: {  	s0 =	sand.u32 $0x1, s1  }
0x8c: {  	s17 =	sshll.u32 s0, $0xA;
	s2 =	sadd.s32 s3, s2  }
0x8d: {  	s2 =	sadd.s32 s2, s17  }
0x8e: {  	[smem:$0x3FC5] =	sst s2  }
0x8f: {  	_ = 	snop  }
0x90: {  	s2 =	sld [smem:$0x3FC8]  }
0x91: {  	s18 =	sld [smem:$0x3FD0];
	(tm) =	ssettm $0x1  }
0x92: {  	s4 =	sld [smem:$0x3FFB];
	_ =	sdelay $0x3  }
0x93: {  	_ =	strace s4  }
0x94: {  	s4 =	sld [smem:$0x3FFC];
	_ =	sdelay $0x3  }
0x95: {  	_ =	strace s4  }
0x96: {  	s4 =	sld [smem:$0x3FFD];
	_ =	sdelay $0x3  }
0x97: {  	_ =	strace s4  }
0x98: {  	_ =	strace $0x8FFFFFFF  }
0x99: {  	s19 =	sld [smem:$0x3FDB];
	_ =	sdelay $0x1  }
0x9a: {  	s5 =	simm.s32 $_scs_section_size  }
0x9b: {  	s6 =	simm.s32 $_size__tile_overlayer_lowered;
	s7 =	simm.s32 $_tile_overlayer_lowered  }
0x9c: {  	s22 =	simm.s32 $0x1BFF;
	s21 =	sshll.u32 s7, $0x1;
	s4 =	sadd.s32 s5, s19  }
0x9d: {  	s8 =	simm.s32 $0x0;
	s20 =	sshll.u32 s6, $0x1;
	s6 =	sadd.s32 s21, s4  }
0x9e: {  	[timem:s8], [sflag:s22] =	dma.local [hbm:s6], s20  }
0x9f: {  	_ =	swait.ge [sflag:s22], s20  }
0xa0: {  	s5 =	ssub.s32 $0x0, s20;
	[sflag:s22] =	ssyncset.done $0x0  }
0xa1: {  	[sflag:s22] =	ssyncadd.s32 s5;
	_ =	sdelay $0x1  }
0xa2: {  	s23 =	simm.s32 $0x1B8B  }
0xa3: {  	_ =	swait.ge [sflag:s23], $0x1  }
0xa4: {  	[sflag:s23] =	ssyncset.done $0x0  }
0xa5: {  	s25 =	simm.s32 $0x1B8E;
	s24 =	sld [smem:$0x3FFE];
	[sflag:s23] =	ssyncadd.s32 $0xFFFFFFFF  }
0xa6: {  	s26 =	simm.s32 $execute0_lowered;
	[smem:$0x3FD2] =	sst s25  }
0xa7: {  	s6 =	sshll.u32 s26, $0x1;
	_ =	strace $0x80000046;
	[dreg:$0x1] =	wrdreg $0xFFFFFFFF  }
0xa8: {  	s28 =	simm.s32 $_size_execute0_lowered;
	s4 =	sadd.s32 s4, s6;
	[dreg:$0x0] =	wrdreg $0x0  }
0xa9: {  	s6 =	sshll.u32 s28, $0x1;
	[dreg:$0x2] =	wrdreg s4  }
0xaa: {  	[dreg:$0x3] =	wrdreg s6  }
0xab: {  	[dreg:$0x4] =	wrdreg $0xC0  }
0xac: {  	_ =	task [dreg:s8], $0x5FFFF  }
0xad: {  	[dreg:$0x1] =	wrdreg $0xFFFFFFFF  }
0xae: {  	[dreg:$0x0] =	wrdreg $0x60  }
0xaf: {  	[dreg:$0x2] =	wrdreg s18  }
0xb0: {  	[dreg:$0x3] =	wrdreg s2  }
0xb1: {  	[dreg:$0x4] =	wrdreg s24  }
0xb2: {  	[dreg:$0x5] =	wrdreg $0x9  }
0xb3: {  	_ =	task.clear_ibuf [dreg:s8], $0x6FFFF;
	_ =	strace $0x90000046  }
0xb4: {  	s29 =	simm.s32 $0x9;
	_ =	strace $0x80000048  }
0xb5: {  	_ =	swait.ge [sflag:s29], $0x1  }
0xb6: {  	[sflag:s29] =	ssyncadd.s32 $0xFFFFFFFF  }
0xb7: {  	_ =	strace $0x90000048  }
0xb8: {  	_ =	sfence  }
0xb9: {  	s30 =	sld [smem:$0x0];
	_ =	sdelay $0x2  }
0xba: {  	s31 =	sshll.u32 s1, $0xD;
	s1 =	sshrl.u32 s1, $0x2  }
0xbb: {  	s3 =	sand.u32 $0x4000, s31;
	s1 =	sadd.s32 s1, s30  }
0xbc: {  	s0 =	sor.u32 s3, s0;
	s1 =	sshll.u32 s1, $0x11  }
0xbd: {  	s0 =	sor.u32 s1, s0  }
0xbe: {  	s0 =	sadd.s32 $0x8F2B, s0  }
0xbf: {  	[sflag:s0] =	ssyncadd.remote.s32 $0x1  }
0xc0: {  	_ =	sfence.sel $0xFFFF  }
0xc1: {  	[dreg:$0x0] =	wrdreg $0xFFFFFFFF;
	(pc) =	sbr.abs _section_cstart, $3  }
0xc2: {  	[dreg:$0x1] =	wrdreg $0xFFFFFFFF  }
0xc3: {  	_ =	task.clear_ibuf [dreg:s8], $0x2FFFF;
	_ =	strace $0x9FFFFFFF  }
0xc4: {  	(tm) =	ssettm $0x7FFFFFFF  }
0xc5: {  	_ =	shalt  }
tec
execute0_lowered:
.L_overlay_start_1:
0x0: {  	(tag) =	ssettag $0x1  }
0x1: {  	s1 =	rddreg [dreg:$0x0]  }
0x2: {  	s5 =	rddreg [dreg:$0x1]  }
0x3: {  	s4 =	rddreg [dreg:$0x2]  }
0x4: {  	s0 =	rddreg [dreg:$0x3];
	s3 =	simm.s32 $0x0;
	s6 =	srdreg.scid  }
0x5: {  	s2 =	stileid.u32;
	[smem:$0x7FF] =	sst s3  }
0x6: {  	s6 =	sand.u32 $0x1, s6;
	s7 =	sshll.u32 s2, $0x1;
	s4 =	sadd.s32 $0x400, s4  }
0x7: {  	_ =	strace $0x80000047;
	s8 =	ssub.s32 $0x2, s6;
	s6 =	sor.u32 s6, s7  }
0x8: {  	s30 =	sshrl.u32 s8, $0x1;
	s9 =	sshll.u32 s6, $0xE;
	s6 =	sshll.u32 s6, $0xB  }
0x9: {  	s7 =	ssub.s32 s8, s30;
	s5 =	sadd.s32 s5, s6;
	s31 =	sor.u32 $0x10, s9  }
0xa: {  	s10 =	sor.u32 $0x1000, s9;
	s11 =	sor.u32 $0x1010, s9;
	s12 =	sor.u32 $0x2000, s9  }
0xb: {  	v7 =	vlaneseq.u32;
	s13 =	sor.u32 $0x2010, s9;
	s14 =	sor.u32 $0x3000, s9;
	s15 =	sor.u32 $0x3010, s9  }
0xc: {  	v0 =	vor.u32 s9, v7;
	s8 =	simm.s32 $0x1;
	s9 =	simm.s32 $0x80;
	v1 =	vor.u32 s31, v7;
	s6 =	smax.u32 s7, $0x1  }
0xd: {  	s7 =	simm.s32 $0x100;
	v2 =	vor.u32 s10, v7;
	v3 =	vor.u32 s11, v7;
	v4 =	vor.u32 s12, v7;
	s10 =	simm.s32 $0x4100;
	s11 =	simm.s32 $0x2  }
0xe: {  	v5 =	vor.u32 s13, v7;
	v6 =	vor.u32 s14, v7;
	v7 =	vor.u32 s15, v7;
	s12 =	simm.s32 $0x3;
	s13 =	simm.s32 $0x4;
	s14 =	simm.s32 $0x0  }
.LBB2_1:
0xf: {  	[tilespmem:s3], [sflag:$0x1] =	stream.linear.gather [hbm4b:s4+s3], $0x80, $0x38;
	[tilespmem:$0x8100] =	vst v63  }
0x10: {  	_ = 	snop  }
0x11: {  	[tilespmem:s7], [sflag:$0x2] =	stream.linear.gather [hbm4b:s5+s3], $0x4000, $0x38;
	[tilespmem:$0x8100] =	vst v63  }
0x12: {  	_ =	swait.ge [sflag:s8], $0x80  }
0x13: {  	[sflag:s8] =	ssyncset.done $0x0  }
0x14: {  	[sflag:s8] =	ssyncadd.s32 $0xFFFFFF80  }
0x15: {  	v8 =	vld [tilespmem:$0x0];
	_ =	sdelay $0x4  }
0x16: {  	v9 =	vadd.s32 v8, v0  }
0x17: {  	[tilespmem:$0x80] =	vst v9;
	v9 =	vadd.s32 v8, v1  }
0x18: {  	[tilespmem:$0x90] =	vst v9;
	v9 =	vadd.s32 v8, v2  }
0x19: {  	[tilespmem:$0xA0] =	vst v9;
	v9 =	vadd.s32 v8, v3  }
0x1a: {  	[tilespmem:$0xB0] =	vst v9;
	v9 =	vadd.s32 v8, v4  }
0x1b: {  	[tilespmem:$0xC0] =	vst v9;
	v9 =	vadd.s32 v8, v5  }
0x1c: {  	[tilespmem:$0xD0] =	vst v9;
	v9 =	vadd.s32 v8, v6  }
0x1d: {  	v8 =	vadd.s32 v8, v7;
	[tilespmem:$0xE0] =	vst v9  }
0x1e: {  	[tilespmem:$0xF0] =	vst v8  }
0x1f: {  	[tilespmem:s10], [sflag:$0x3] =	stream.indirect.gather [hbm4b:s1+s9], $0x80, s9, s9, $0xb8;
	[tilespmem:$0x8100] =	vst v63  }
0x20: {  	_ =	swait.ge [sflag:s11], $0x4000  }
0x21: {  	[sflag:s11] =	ssyncset.done $0x0  }
0x22: {  	[sflag:s11] =	ssyncadd.s32 $0xFFFFC000  }
0x23: {  	_ =	swait.ge [sflag:s12], $0x4000  }
0x24: {  	[sflag:s12] =	ssyncset.done $0x0  }
0x25: {  	s15 =	simm.s32 $0x0;
	[sflag:s12] =	ssyncadd.s32 $0xFFFFC000  }
0x26: {  	v8 =	vld [tilespmem:s15+$0x2F0]  }
0x27: {  	v9 =	vld [tilespmem:s15+$0x100]  }
0x28: {  	v10 =	vld [tilespmem:s15+$0x110]  }
0x29: {  	v11 =	vld [tilespmem:s15+$0x120]  }
0x2a: {  	v12 =	vld [tilespmem:s15+$0x130]  }
0x2b: {  	v13 =	vld [tilespmem:s15+$0x140]  }
0x2c: {  	v14 =	vld [tilespmem:s15+$0x150]  }
0x2d: {  	v15 =	vld [tilespmem:s15+$0x160]  }
0x2e: {  	v16 =	vld [tilespmem:s15+$0x170]  }
0x2f: {  	v17 =	vld [tilespmem:s15+$0x180]  }
0x30: {  	v18 =	vld [tilespmem:s15+$0x190]  }
0x31: {  	v19 =	vld [tilespmem:s15+$0x1A0]  }
0x32: {  	v20 =	vld [tilespmem:s15+$0x1B0]  }
0x33: {  	v21 =	vld [tilespmem:s15+$0x1C0]  }
0x34: {  	v22 =	vld [tilespmem:s15+$0x1D0]  }
0x35: {  	v23 =	vld [tilespmem:s15+$0x1E0]  }
0x36: {  	v24 =	vld [tilespmem:s15+$0x1F0]  }
0x37: {  	v25 =	vld [tilespmem:s15+$0x200]  }
0x38: {  	v26 =	vld [tilespmem:s15+$0x210]  }
0x39: {  	v27 =	vld [tilespmem:s15+$0x220]  }
0x3a: {  	v28 =	vld [tilespmem:s15+$0x230]  }
0x3b: {  	v29 =	vld [tilespmem:s15+$0x240]  }
0x3c: {  	v30 =	vld [tilespmem:s15+$0x250]  }
0x3d: {  	v31 =	vld [tilespmem:s15+$0x260]  }
0x3e: {  	v32 =	vld [tilespmem:s15+$0x270]  }
0x3f: {  	v33 =	vld [tilespmem:s15+$0x280]  }
0x40: {  	v34 =	vld [tilespmem:s15+$0x290]  }
0x41: {  	v35 =	vld [tilespmem:s15+$0x2A0]  }
0x42: {  	v36 =	vld [tilespmem:s15+$0x2B0]  }
0x43: {  	v37 =	vld [tilespmem:s15+$0x2C0]  }
0x44: {  	v38 =	vld [tilespmem:s15+$0x2D0]  }
0x45: {  	[tilespmem:s15+$0x42F0] =	vst.add.f32.msk $0xffff, v8  }
0x46: {  	v8 =	vld [tilespmem:s15+$0x2E0]  }
0x47: {  	[tilespmem:s15+$0x4100] =	vst.add.f32.msk $0xffff, v9  }
0x48: {  	[tilespmem:s15+$0x4110] =	vst.add.f32.msk $0xffff, v10  }
0x49: {  	[tilespmem:s15+$0x4120] =	vst.add.f32.msk $0xffff, v11  }
0x4a: {  	[tilespmem:s15+$0x4130] =	vst.add.f32.msk $0xffff, v12  }
0x4b: {  	[tilespmem:s15+$0x4140] =	vst.add.f32.msk $0xffff, v13  }
0x4c: {  	[tilespmem:s15+$0x4150] =	vst.add.f32.msk $0xffff, v14  }
0x4d: {  	[tilespmem:s15+$0x4160] =	vst.add.f32.msk $0xffff, v15  }
0x4e: {  	[tilespmem:s15+$0x4170] =	vst.add.f32.msk $0xffff, v16  }
0x4f: {  	[tilespmem:s15+$0x4180] =	vst.add.f32.msk $0xffff, v17  }
0x50: {  	[tilespmem:s15+$0x4190] =	vst.add.f32.msk $0xffff, v18  }
0x51: {  	[tilespmem:s15+$0x41A0] =	vst.add.f32.msk $0xffff, v19  }
0x52: {  	[tilespmem:s15+$0x41B0] =	vst.add.f32.msk $0xffff, v20  }
0x53: {  	[tilespmem:s15+$0x41C0] =	vst.add.f32.msk $0xffff, v21  }
0x54: {  	[tilespmem:s15+$0x41D0] =	vst.add.f32.msk $0xffff, v22  }
0x55: {  	[tilespmem:s15+$0x41E0] =	vst.add.f32.msk $0xffff, v23  }
0x56: {  	[tilespmem:s15+$0x41F0] =	vst.add.f32.msk $0xffff, v24  }
0x57: {  	[tilespmem:s15+$0x4200] =	vst.add.f32.msk $0xffff, v25  }
0x58: {  	[tilespmem:s15+$0x4210] =	vst.add.f32.msk $0xffff, v26  }
0x59: {  	[tilespmem:s15+$0x4220] =	vst.add.f32.msk $0xffff, v27  }
0x5a: {  	[tilespmem:s15+$0x4230] =	vst.add.f32.msk $0xffff, v28  }
0x5b: {  	[tilespmem:s15+$0x4240] =	vst.add.f32.msk $0xffff, v29  }
0x5c: {  	[tilespmem:s15+$0x4250] =	vst.add.f32.msk $0xffff, v30  }
0x5d: {  	[tilespmem:s15+$0x4260] =	vst.add.f32.msk $0xffff, v31  }
0x5e: {  	[tilespmem:s15+$0x4270] =	vst.add.f32.msk $0xffff, v32  }
0x5f: {  	[tilespmem:s15+$0x4280] =	vst.add.f32.msk $0xffff, v33  }
0x60: {  	[tilespmem:s15+$0x4290] =	vst.add.f32.msk $0xffff, v34  }
0x61: {  	[tilespmem:s15+$0x42A0] =	vst.add.f32.msk $0xffff, v35  }
0x62: {  	[tilespmem:s15+$0x42B0] =	vst.add.f32.msk $0xffff, v36  }
0x63: {  	[tilespmem:s15+$0x42C0] =	vst.add.f32.msk $0xffff, v37  }
0x64: {  	s16 =	simm.s32 $0x0;
	s17 =	simm.s32 $0x800;
	[tilespmem:s15+$0x42D0] =	vst.add.f32.msk $0xffff, v38  }
.LBB2_2:
0x65: {  	s16 =	sadd.s32 $0x4, s16;
	[tilespmem:s15+$0x42E0] =	vst.add.f32.msk $0xffff, v8;
	s15 =	sshra.s32 s17, $0x2  }
0x66: {  	v8 =	vld [tilespmem:s15+$0x2F0];
	p0 =	slt.u32 s16, $0x7C  }
0x67: {  	v9 =	vld [tilespmem:s15+$0x100]  }
0x68: {  	v10 =	vld [tilespmem:s15+$0x110]  }
0x69: {  	v11 =	vld [tilespmem:s15+$0x120]  }
0x6a: {  	v12 =	vld [tilespmem:s15+$0x130]  }
0x6b: {  	[tilespmem:s15+$0x42F0] =	vst.add.f32.msk $0xffff, v8  }
0x6c: {  	v13 =	vld [tilespmem:s15+$0x140]  }
0x6d: {  	v14 =	vld [tilespmem:s15+$0x150]  }
0x6e: {  	v15 =	vld [tilespmem:s15+$0x160]  }
0x6f: {  	v16 =	vld [tilespmem:s15+$0x170]  }
0x70: {  	v17 =	vld [tilespmem:s15+$0x180]  }
0x71: {  	v18 =	vld [tilespmem:s15+$0x190]  }
0x72: {  	v19 =	vld [tilespmem:s15+$0x1A0]  }
0x73: {  	v20 =	vld [tilespmem:s15+$0x1B0]  }
0x74: {  	v21 =	vld [tilespmem:s15+$0x1C0]  }
0x75: {  	v22 =	vld [tilespmem:s15+$0x1D0]  }
0x76: {  	v23 =	vld [tilespmem:s15+$0x1E0]  }
0x77: {  	v24 =	vld [tilespmem:s15+$0x1F0]  }
0x78: {  	v25 =	vld [tilespmem:s15+$0x200]  }
0x79: {  	v26 =	vld [tilespmem:s15+$0x210]  }
0x7a: {  	v27 =	vld [tilespmem:s15+$0x220]  }
0x7b: {  	v28 =	vld [tilespmem:s15+$0x230]  }
0x7c: {  	v29 =	vld [tilespmem:s15+$0x240]  }
0x7d: {  	v30 =	vld [tilespmem:s15+$0x250]  }
0x7e: {  	v31 =	vld [tilespmem:s15+$0x260]  }
0x7f: {  	v32 =	vld [tilespmem:s15+$0x270]  }
0x80: {  	v33 =	vld [tilespmem:s15+$0x280]  }
0x81: {  	v34 =	vld [tilespmem:s15+$0x290]  }
0x82: {  	v35 =	vld [tilespmem:s15+$0x2A0]  }
0x83: {  	v36 =	vld [tilespmem:s15+$0x2B0]  }
0x84: {  	v37 =	vld [tilespmem:s15+$0x2C0]  }
0x85: {  	v38 =	vld [tilespmem:s15+$0x2D0]  }
0x86: {  	v8 =	vld [tilespmem:s15+$0x2E0]  }
0x87: {  	[tilespmem:s15+$0x4100] =	vst.add.f32.msk $0xffff, v9  }
0x88: {  	[tilespmem:s15+$0x4110] =	vst.add.f32.msk $0xffff, v10  }
0x89: {  	[tilespmem:s15+$0x4120] =	vst.add.f32.msk $0xffff, v11  }
0x8a: {  	[tilespmem:s15+$0x4130] =	vst.add.f32.msk $0xffff, v12  }
0x8b: {  	[tilespmem:s15+$0x4140] =	vst.add.f32.msk $0xffff, v13  }
0x8c: {  	[tilespmem:s15+$0x4150] =	vst.add.f32.msk $0xffff, v14  }
0x8d: {  	[tilespmem:s15+$0x4160] =	vst.add.f32.msk $0xffff, v15  }
0x8e: {  	[tilespmem:s15+$0x4170] =	vst.add.f32.msk $0xffff, v16  }
0x8f: {  	[tilespmem:s15+$0x4180] =	vst.add.f32.msk $0xffff, v17  }
0x90: {  	[tilespmem:s15+$0x4190] =	vst.add.f32.msk $0xffff, v18  }
0x91: {  	[tilespmem:s15+$0x41A0] =	vst.add.f32.msk $0xffff, v19  }
0x92: {  	[tilespmem:s15+$0x41B0] =	vst.add.f32.msk $0xffff, v20  }
0x93: {  	[tilespmem:s15+$0x41C0] =	vst.add.f32.msk $0xffff, v21  }
0x94: {  	[tilespmem:s15+$0x41D0] =	vst.add.f32.msk $0xffff, v22  }
0x95: {  	[tilespmem:s15+$0x41E0] =	vst.add.f32.msk $0xffff, v23  }
0x96: {  	[tilespmem:s15+$0x41F0] =	vst.add.f32.msk $0xffff, v24  }
0x97: {  	[tilespmem:s15+$0x4200] =	vst.add.f32.msk $0xffff, v25  }
0x98: {  	[tilespmem:s15+$0x4210] =	vst.add.f32.msk $0xffff, v26  }
0x99: {  	[tilespmem:s15+$0x4220] =	vst.add.f32.msk $0xffff, v27  }
0x9a: {  	[tilespmem:s15+$0x4230] =	vst.add.f32.msk $0xffff, v28  }
0x9b: {  	[tilespmem:s15+$0x4240] =	vst.add.f32.msk $0xffff, v29  }
0x9c: {  	[tilespmem:s15+$0x4250] =	vst.add.f32.msk $0xffff, v30  }
0x9d: {  	[tilespmem:s15+$0x4260] =	vst.add.f32.msk $0xffff, v31  }
0x9e: {  	[tilespmem:s15+$0x4270] =	vst.add.f32.msk $0xffff, v32  }
0x9f: {  	[tilespmem:s15+$0x4280] =	vst.add.f32.msk $0xffff, v33  }
.Ltmp0:
0xa0: {  	[tilespmem:s15+$0x4290] =	vst.add.f32.msk $0xffff, v34;
	(pc) =	sbr.rel @p0 .LBB2_2-.Ltmp0, $4  }
0xa1: {  	[tilespmem:s15+$0x42A0] =	vst.add.f32.msk $0xffff, v35  }
0xa2: {  	[tilespmem:s15+$0x42B0] =	vst.add.f32.msk $0xffff, v36  }
0xa3: {  	[tilespmem:s15+$0x42C0] =	vst.add.f32.msk $0xffff, v37  }
0xa4: {  	s17 =	sadd.s32 $0x800, s17;
	[tilespmem:s15+$0x42D0] =	vst.add.f32.msk $0xffff, v38  }
0xa5: {  	s14 =	sadd.s32 $0x1, s14  }
0xa6: {  	p0 =	sne.s32 s14, s6  }
.Ltmp1:
0xa7: {  	[tilespmem:s15+$0x42E0] =	vst.add.f32.msk $0xffff, v8;
	(pc) =	sbr.rel @p0 .LBB2_1-.Ltmp1, $4  }
0xa8: {  	[hbm4b:s1+s9] =	stream.indirect.scatter [tilespmem:s10], [sflag:$0x4], $0x80, s9, s9, $0xb8;
	[tilespmem:$0x8100] =	vst v63  }
0xa9: {  	_ =	swait.ge [sflag:s13], $0x4000  }
0xaa: {  	[sflag:s13] =	ssyncset.done $0x0  }
0xab: {  	[sflag:s13] =	ssyncadd.s32 $0xFFFFC000  }
0xac: {  	_ =	sfence.sel $0x180000  }
0xad: {  	[bflag:$0x0] =	sbarrier.arrive $0xFFFF  }
0xae: {  	p0 =	sne.s32 s2, $0x0;
	_ =	strace $0x90000047  }
0xaf: {  	s0 =	sadd.s32 @!p0 $0x100000, s0;
	[bflag:$0x2] =	sbarrier.arrive $0xFFFF  }
0xb0: {  	[sflag:s0] =	ssyncadd.tile.s32 @!p0 $0x1;
	_ =	shalt  }
.Lfunc_end2:
_tile_overlayer_lowered:
.L_overlay_start_2:
0xb1: {  	(tag) =	ssettag $0x2  }
0xb2: {  	s0 =	rddreg [dreg:$0x0];
	s2 =	stileid.u32  }
0xb3: {  	s1 =	rddreg [dreg:$0x1];
	p0 =	sne.s32 s2, $0x0  }
0xb4: {  	s3 =	rddreg [dreg:$0x2];
	[bflag:$0x3] =	sbarrier.arrive $0xFFFF;
	s2 =	simm.s32 @!p0 $0x1C05  }
0xb5: {  	[timem:s3], [sflag:s2] =	dma.local @!p0 [hbm:s0], s1  }
0xb6: {  	s0 =	simm.s32 @!p0 $0x5  }
0xb7: {  	_ =	swait.ge @!p0 [sflag:s0], s1  }
0xb8: {  	s1 =	ssub.s32 @!p0 $0x0, s1;
	[sflag:s0] =	ssyncset.done @!p0 $0x0  }
0xb9: {  	[sflag:s0] =	ssyncadd.s32 @!p0 s1  }
0xba: {  	[bflag:$0x3] =	sbarrier.arrive $0xFFFF  }
0xbb: {  	_ =	shalt  }

</sc_bundles>
